<compile_context>
chip_gen: v7x
topology: tpu7x:2x2x1
jax: 0.10.2.dev20260603
libtpu: 0.0.44.dev20260713+nightly
codegen_flags: <defaults>
</compile_context>

<pallas_src>
import math

import functools

import jax
import jax.numpy as jnp
from jax import lax
from jax.experimental import pallas as pl
from jax.experimental.pallas import tpu as pltpu
from jax.experimental.pallas import tpu_sc as plsc

_B, _N, _D = 4, 8192, 768
_K = 1024
_ROWS = 4096


def _score_body(x_ref, mu_ref, sd_ref, gamma_ref, beta_ref, w_ref, s_ref):
    xb = x_ref[...]
    mu = mu_ref[...].reshape(_ROWS, 1)
    sd = sd_ref[...].reshape(_ROWS, 1)
    xn = (xb - mu) / sd * gamma_ref[...] + beta_ref[...]
    s128 = jax.lax.dot_general(
        xn.astype(jnp.bfloat16), w_ref[...].astype(jnp.bfloat16),
        (((1,), (1,)), ((), ())), preferred_element_type=jnp.float32)
    s_ref[...] = s128[:, 0:1].reshape(_ROWS)


def _scores(x2, mu1, sd1, ln_gamma, ln_beta, wpad):
    nblk = (_B * _N) // _ROWS
    return pl.pallas_call(
        _score_body,
        grid=(nblk,),
        in_specs=[
            pl.BlockSpec((_ROWS, _D), lambda i: (i, 0)),
            pl.BlockSpec((_ROWS,), lambda i: (i,)),
            pl.BlockSpec((_ROWS,), lambda i: (i,)),
            pl.BlockSpec((1, _D), lambda i: (0, 0)),
            pl.BlockSpec((1, _D), lambda i: (0, 0)),
            pl.BlockSpec((128, _D), lambda i: (0, 0)),
        ],
        out_specs=pl.BlockSpec((_ROWS,), lambda i: (i,)),
        out_shape=jax.ShapeDtypeStruct((_B * _N,), jnp.float32),
    )(x2, mu1, sd1, ln_gamma, ln_beta, wpad)


_NW = 32
_RPW = (_B * _K) // _NW
_CHUNK = 32


def _make_sc_gather():
    mesh = plsc.VectorSubcoreMesh(core_axis_name="c", subcore_axis_name="s")

    @functools.partial(
        pl.kernel, mesh=mesh,
        out_type=jax.ShapeDtypeStruct((_B * _K, _D), jnp.float32),
        scratch_types=[
            pltpu.VMEM((_RPW,), jnp.int32),
            pltpu.VMEM((2, _CHUNK, _D), jnp.float32),
            pltpu.SemaphoreType.DMA,
            pltpu.SemaphoreType.DMA,
            pltpu.SemaphoreType.DMA,
        ],
    )
    def sc_gather(x_hbm, idx_hbm, out_hbm, idx_v, rows_v, gsem0, gsem1, osem):
        wid = lax.axis_index("s") * 2 + lax.axis_index("c")
        base = wid * _RPW
        pltpu.sync_copy(idx_hbm.at[pl.ds(base, _RPW)], idx_v)
        nchunks = _RPW // _CHUNK
        gsems = [gsem0, gsem1]

        def gather_chunk(i):
            return pltpu.make_async_copy(
                x_hbm.at[idx_v.at[pl.ds(i * _CHUNK, _CHUNK)]],
                rows_v.at[i % 2], gsems[i % 2])

        def out_chunk(i):
            return pltpu.make_async_copy(
                rows_v.at[i % 2],
                out_hbm.at[pl.ds(base + i * _CHUNK, _CHUNK)], osem)

        gather_chunk(0).start()
        for i in range(nchunks):
            gather_chunk(i).wait()
            if i + 1 < nchunks:
                if i >= 1:
                    out_chunk(i - 1).wait()
                gather_chunk(i + 1).start()
            out_chunk(i).start()
        out_chunk(nchunks - 2).wait()
        out_chunk(nchunks - 1).wait()

    return sc_gather


def kernel(x, ln_gamma, ln_beta, W, b):
    kg = jax.random.key(42)
    u = jax.random.uniform(kg, (_B * _N,), dtype=jnp.float32)
    g = -1.0 * jnp.log(-1.0 * jnp.log(u + 1e-20) + 1e-20)
    kd = jax.random.key(7)
    drop = jax.random.bernoulli(kd, 0.9, (_B * _N,)).astype(jnp.float32)
    dt = (1.0 - drop) * -1000000000.0

    mu = jnp.mean(x, axis=-1)
    var = jnp.var(x, axis=-1)
    sd = jnp.sqrt(var + 1e-5)

    x2 = x.reshape(_B * _N, _D)
    wpad = jnp.zeros((128, _D), jnp.float32).at[0].set(W[0])
    s = _scores(
        x2,
        mu.reshape(_B * _N),
        sd.reshape(_B * _N),
        ln_gamma.reshape(1, _D),
        ln_beta.reshape(1, _D),
        wpad,
    )
    s = s + b[0]
    s = s / math.sqrt(2.0)
    s = s + g
    s = s + dt
    scores = s.reshape(_B, _N)
    _, idx = jax.lax.top_k(scores, _K)
    flat_idx = (idx + jnp.arange(_B, dtype=idx.dtype)[:, None] * _N).reshape(-1)
    sampled = _make_sc_gather()(x2, flat_idx)
    return sampled.reshape(_B, _K, _D)

# --- scband reference (transcript-rebuilt; emitter-appended) ---
"""Pipeline reference for scband-pairwise-sam-59614146068938 (READ-ONLY COPY).

The authoritative reference and input builder live on the scoring server;
editing this copy changes nothing except your own understanding.
"""

import jax, jax.numpy as jnp
import numpy as np
import math

B, N, D = 4, 8192, 768
N_SAMPLED = 1024
DROP_KEEP = 0.9  # 1 - drop_point


def setup_inputs(seed: int = 0) -> dict:
    key = jax.random.key(seed)
    k1, k2 = jax.random.split(key, 2)
    x = jax.random.normal(k1, (B, N, D), dtype=jnp.float32)
    ln_gamma = jnp.ones((D,), dtype=jnp.float32)
    ln_beta = jnp.zeros((D,), dtype=jnp.float32)
    W = jax.random.normal(k2, (1, D), dtype=jnp.float32) * (1.0 / math.sqrt(D))
    b = jnp.zeros((1,), dtype=jnp.float32)
    return {"x": x, "ln_gamma": ln_gamma, "ln_beta": ln_beta, "W": W, "b": b}


def reference(x, ln_gamma, ln_beta, W, b):
    # pointwise: LayerNorm(d_model) -> Linear(d_model, 1)
    mu = jnp.mean(x, axis=-1, keepdims=True)
    var = jnp.var(x, axis=-1, keepdims=True)
    xn = (x - mu) / jnp.sqrt(var + 1e-5) * ln_gamma + ln_beta
    s = xn @ W.T + b                      # [B, N, 1]
    s = s / math.sqrt(2.0)
    # Gumbel perturbation: -log(-log(U + eps) + eps)
    kg = jax.random.key(42)
    u = jax.random.uniform(kg, s.shape, dtype=s.dtype)
    s = s + (-1.0 * jnp.log(-1.0 * jnp.log(u + 1e-20) + 1e-20))
    # point dropout mask: bernoulli(keep_prob); dropped points get -1e9
    kd = jax.random.key(7)
    drop = jax.random.bernoulli(kd, DROP_KEEP, (x.shape[0], x.shape[1], 1)).astype(s.dtype)
    s = s + (1.0 - drop) * -1000000000.0
    # sort_sample: select top n_sampled_points by perturbed score, gather x
    scores = s[..., 0]                    # [B, N]
    vals, idx = jax.lax.top_k(scores, N_SAMPLED)   # [B, K]
    sampled = jnp.take_along_axis(x, idx[..., None], axis=1)  # [B, K, D]
    return sampled

if __name__ == "__main__":
    import jax
    _d = setup_inputs()
    print(jax.jit(kernel)(*tuple(_d.values())))

</pallas_src>

<mosaic_0001>
#map = affine_map<(d0, d1) -> (0, 0)>
#map1 = affine_map<(d0, d1) -> (0)>
module attributes {stable_mosaic.version = 14 : i64} {
  func.func @sc_gather(%arg0: i32, %arg1: i32, %arg2: memref<32768x768xf32, #tpu.memory_space<hbm>>, %arg3: memref<4096xi32, #tpu.memory_space<hbm>>, %arg4: memref<4096x768xf32, #tpu.memory_space<hbm>>, %arg5: memref<128xi32, #tpu.memory_space<vmem>>, %arg6: memref<2x32x768xf32, #tpu.memory_space<vmem>>, %arg7: memref<!tpu.dma_semaphore, #tpu.memory_space<semaphore_mem>>, %arg8: memref<!tpu.dma_semaphore, #tpu.memory_space<semaphore_mem>>, %arg9: memref<!tpu.dma_semaphore, #tpu.memory_space<semaphore_mem>>) attributes {dimension_semantics = [#tpu.dimension_semantics<core_parallel>, #tpu.dimension_semantics<subcore_parallel>], iteration_bounds = array<i64: 2, 16>, scalar_prefetch = 0 : i64, scratch_operands = 5 : i64, tpu.core_type = #tpu.core_type<sc_vector_subcore>, window_params = [{transform_indices = #map}, {transform_indices = #map1}, {transform_indices = #map}]} {
    %mul3A = arith.constant 2 : i32
    %mul3A_0 = arith.muli %arg1, %mul3A : i32
    %add3A = arith.addi %mul3A_0, %arg0 : i32
    %mul3A_1 = arith.constant 128 : i32
    %mul3A_2 = arith.muli %add3A, %mul3A_1 : i32
    "tpu.region"() ({
      %run_scoped3A = tpu.sem_alloc : memref<!tpu.dma_semaphore, #tpu.memory_space<semaphore_mem>>
      %dma_start3A_201 = tpu.memref_slice %arg3[%mul3A_2] : memref<4096xi32, #tpu.memory_space<hbm>> -> memref<128xi32, #tpu.memory_space<hbm>>
      %dma_start3A_202 = tpu.memref_slice %arg3[%mul3A_2] : memref<4096xi32, #tpu.memory_space<hbm>> -> memref<128xi32, #tpu.memory_space<hbm>>
      tpu.enqueue_dma source(%dma_start3A_202 : memref<128xi32, #tpu.memory_space<hbm>>) target(%arg5 : memref<128xi32, #tpu.memory_space<vmem>>) target_semaphore(%run_scoped3A : memref<!tpu.dma_semaphore, #tpu.memory_space<semaphore_mem>>)
      %dma_wait3A_203 = tpu.memref_slice %arg3[%mul3A_2] : memref<4096xi32, #tpu.memory_space<hbm>> -> memref<128xi32, #tpu.memory_space<hbm>>
      %dma_wait3A_204 = tpu.memref_slice %arg3[%mul3A_2] : memref<4096xi32, #tpu.memory_space<hbm>> -> memref<128xi32, #tpu.memory_space<hbm>>
      tpu.wait_dma2 semaphore(%run_scoped3A : memref<!tpu.dma_semaphore, #tpu.memory_space<semaphore_mem>>) src(%dma_wait3A_204 : memref<128xi32, #tpu.memory_space<hbm>>) dst(%arg5 : memref<128xi32, #tpu.memory_space<vmem>>)
      tpu.yield
    }) : () -> ()
    %dma_start3A = arith.constant 0 : i32
    %dma_start3A_3 = arith.constant 0 : i32
    %dma_start3A_4 = arith.constant 0 : i32
    %dma_start3A_5 = tpu.memref_slice %arg6[%dma_start3A, %dma_start3A_3, %dma_start3A_4] : memref<2x32x768xf32, #tpu.memory_space<vmem>> -> memref<1x32x768xf32, #tpu.memory_space<vmem>>
    %dma_start3A_6 = tpu.memref_squeeze %dma_start3A_5 : memref<1x32x768xf32, #tpu.memory_space<vmem>> -> memref<32x768xf32, #tpu.memory_space<vmem>>
    %dma_start3A_7 = arith.constant 0 : i32
    %dma_start3A_8 = tpu.memref_slice %arg5[%dma_start3A_7] : memref<128xi32, #tpu.memory_space<vmem>> -> memref<32xi32, #tpu.memory_space<vmem>>
    %dma_start3A_9 = arith.constant 0 : i32
    %dma_start3A_10 = arith.constant 0 : i32
    %dma_start3A_11 = tpu.memref_slice %arg2[%dma_start3A_9, %dma_start3A_10] : memref<32768x768xf32, #tpu.memory_space<hbm>> -> memref<32768x768xf32, #tpu.memory_space<hbm>>
    tpu.enqueue_indirect_dma source(%dma_start3A_11 : memref<32768x768xf32, #tpu.memory_space<hbm>>) target(%dma_start3A_6 : memref<32x768xf32, #tpu.memory_space<vmem>>) offsets(%dma_start3A_8 : memref<32xi32, #tpu.memory_space<vmem>>) semaphore(%arg7 : memref<!tpu.dma_semaphore, #tpu.memory_space<semaphore_mem>>)
    %dma_wait3A = arith.constant 0 : i32
    %dma_wait3A_12 = arith.constant 0 : i32
    %dma_wait3A_13 = arith.constant 0 : i32
    %dma_wait3A_14 = tpu.memref_slice %arg6[%dma_wait3A, %dma_wait3A_12, %dma_wait3A_13] : memref<2x32x768xf32, #tpu.memory_space<vmem>> -> memref<1x32x768xf32, #tpu.memory_space<vmem>>
    %dma_wait3A_15 = tpu.memref_squeeze %dma_wait3A_14 : memref<1x32x768xf32, #tpu.memory_space<vmem>> -> memref<32x768xf32, #tpu.memory_space<vmem>>
    %dma_wait3A_16 = arith.constant 0 : i32
    %dma_wait3A_17 = tpu.memref_slice %arg5[%dma_wait3A_16] : memref<128xi32, #tpu.memory_space<vmem>> -> memref<32xi32, #tpu.memory_space<vmem>>
    %dma_wait3A_18 = arith.constant 0 : i32
    %dma_wait3A_19 = arith.constant 0 : i32
    %dma_wait3A_20 = tpu.memref_slice %arg2[%dma_wait3A_18, %dma_wait3A_19] : memref<32768x768xf32, #tpu.memory_space<hbm>> -> memref<32768x768xf32, #tpu.memory_space<hbm>>
    tpu.wait_indirect_dma semaphore(%arg7 : memref<!tpu.dma_semaphore, #tpu.memory_space<semaphore_mem>>) src(%dma_wait3A_20 : memref<32768x768xf32, #tpu.memory_space<hbm>>) dst(%dma_wait3A_15 : memref<32x768xf32, #tpu.memory_space<vmem>>)
    %dma_start3A_21 = arith.constant 1 : i32
    %dma_start3A_22 = arith.constant 0 : i32
    %dma_start3A_23 = arith.constant 0 : i32
    %dma_start3A_24 = tpu.memref_slice %arg6[%dma_start3A_21, %dma_start3A_22, %dma_start3A_23] : memref<2x32x768xf32, #tpu.memory_space<vmem>> -> memref<1x32x768xf32, #tpu.memory_space<vmem>>
    %dma_start3A_25 = tpu.memref_squeeze %dma_start3A_24 : memref<1x32x768xf32, #tpu.memory_space<vmem>> -> memref<32x768xf32, #tpu.memory_space<vmem>>
    %dma_start3A_26 = arith.constant 32 : i32
    %dma_start3A_27 = tpu.memref_slice %arg5[%dma_start3A_26] : memref<128xi32, #tpu.memory_space<vmem>> -> memref<32xi32, #tpu.memory_space<vmem>>
    %dma_start3A_28 = arith.constant 0 : i32
    %dma_start3A_29 = arith.constant 0 : i32
    %dma_start3A_30 = tpu.memref_slice %arg2[%dma_start3A_28, %dma_start3A_29] : memref<32768x768xf32, #tpu.memory_space<hbm>> -> memref<32768x768xf32, #tpu.memory_space<hbm>>
    tpu.enqueue_indirect_dma source(%dma_start3A_30 : memref<32768x768xf32, #tpu.memory_space<hbm>>) target(%dma_start3A_25 : memref<32x768xf32, #tpu.memory_space<vmem>>) offsets(%dma_start3A_27 : memref<32xi32, #tpu.memory_space<vmem>>) semaphore(%arg8 : memref<!tpu.dma_semaphore, #tpu.memory_space<semaphore_mem>>)
    %add3A_31 = arith.constant 0 : i32
    %add3A_32 = arith.addi %mul3A_2, %add3A_31 : i32
    %dma_start3A_33 = arith.constant 0 : i32
    %dma_start3A_34 = arith.constant 0 : i32
    %dma_start3A_35 = arith.constant 0 : i32
    %dma_start3A_36 = tpu.memref_slice %arg6[%dma_start3A_33, %dma_start3A_34, %dma_start3A_35] : memref<2x32x768xf32, #tpu.memory_space<vmem>> -> memref<1x32x768xf32, #tpu.memory_space<vmem>>
    %dma_start3A_37 = tpu.memref_squeeze %dma_start3A_36 : memref<1x32x768xf32, #tpu.memory_space<vmem>> -> memref<32x768xf32, #tpu.memory_space<vmem>>
    %dma_start3A_38 = arith.constant 0 : i32
    %dma_start3A_39 = tpu.memref_slice %arg4[%add3A_32, %dma_start3A_38] : memref<4096x768xf32, #tpu.memory_space<hbm>> -> memref<32x768xf32, #tpu.memory_space<hbm>>
    %dma_start3A_40 = arith.constant 0 : i32
    %dma_start3A_41 = tpu.memref_slice %arg4[%add3A_32, %dma_start3A_40] : memref<4096x768xf32, #tpu.memory_space<hbm>> -> memref<32x768xf32, #tpu.memory_space<hbm>>
    %dma_start3A_42 = arith.constant 0 : i32
    %dma_start3A_43 = arith.constant 0 : i32
    %dma_start3A_44 = tpu.memref_slice %arg6[%dma_start3A_33, %dma_start3A_42, %dma_start3A_43] : memref<2x32x768xf32, #tpu.memory_space<vmem>> -> memref<1x32x768xf32, #tpu.memory_space<vmem>>
    %dma_start3A_45 = tpu.memref_squeeze %dma_start3A_44 : memref<1x32x768xf32, #tpu.memory_space<vmem>> -> memref<32x768xf32, #tpu.memory_space<vmem>>
    tpu.enqueue_dma source(%dma_start3A_45 : memref<32x768xf32, #tpu.memory_space<vmem>>) target(%dma_start3A_41 : memref<32x768xf32, #tpu.memory_space<hbm>>) target_semaphore(%arg9 : memref<!tpu.dma_semaphore, #tpu.memory_space<semaphore_mem>>)
    %dma_wait3A_46 = arith.constant 1 : i32
    %dma_wait3A_47 = arith.constant 0 : i32
    %dma_wait3A_48 = arith.constant 0 : i32
    %dma_wait3A_49 = tpu.memref_slice %arg6[%dma_wait3A_46, %dma_wait3A_47, %dma_wait3A_48] : memref<2x32x768xf32, #tpu.memory_space<vmem>> -> memref<1x32x768xf32, #tpu.memory_space<vmem>>
    %dma_wait3A_50 = tpu.memref_squeeze %dma_wait3A_49 : memref<1x32x768xf32, #tpu.memory_space<vmem>> -> memref<32x768xf32, #tpu.memory_space<vmem>>
    %dma_wait3A_51 = arith.constant 32 : i32
    %dma_wait3A_52 = tpu.memref_slice %arg5[%dma_wait3A_51] : memref<128xi32, #tpu.memory_space<vmem>> -> memref<32xi32, #tpu.memory_space<vmem>>
    %dma_wait3A_53 = arith.constant 0 : i32
    %dma_wait3A_54 = arith.constant 0 : i32
    %dma_wait3A_55 = tpu.memref_slice %arg2[%dma_wait3A_53, %dma_wait3A_54] : memref<32768x768xf32, #tpu.memory_space<hbm>> -> memref<32768x768xf32, #tpu.memory_space<hbm>>
    tpu.wait_indirect_dma semaphore(%arg8 : memref<!tpu.dma_semaphore, #tpu.memory_space<semaphore_mem>>) src(%dma_wait3A_55 : memref<32768x768xf32, #tpu.memory_space<hbm>>) dst(%dma_wait3A_50 : memref<32x768xf32, #tpu.memory_space<vmem>>)
    %add3A_56 = arith.constant 0 : i32
    %add3A_57 = arith.addi %mul3A_2, %add3A_56 : i32
    %dma_wait3A_58 = arith.constant 0 : i32
    %dma_wait3A_59 = arith.constant 0 : i32
    %dma_wait3A_60 = arith.constant 0 : i32
    %dma_wait3A_61 = tpu.memref_slice %arg6[%dma_wait3A_58, %dma_wait3A_59, %dma_wait3A_60] : memref<2x32x768xf32, #tpu.memory_space<vmem>> -> memref<1x32x768xf32, #tpu.memory_space<vmem>>
    %dma_wait3A_62 = tpu.memref_squeeze %dma_wait3A_61 : memref<1x32x768xf32, #tpu.memory_space<vmem>> -> memref<32x768xf32, #tpu.memory_space<vmem>>
    %dma_wait3A_63 = arith.constant 0 : i32
    %dma_wait3A_64 = tpu.memref_slice %arg4[%add3A_57, %dma_wait3A_63] : memref<4096x768xf32, #tpu.memory_space<hbm>> -> memref<32x768xf32, #tpu.memory_space<hbm>>
    %dma_wait3A_65 = arith.constant 0 : i32
    %dma_wait3A_66 = tpu.memref_slice %arg4[%add3A_57, %dma_wait3A_65] : memref<4096x768xf32, #tpu.memory_space<hbm>> -> memref<32x768xf32, #tpu.memory_space<hbm>>
    %dma_wait3A_67 = arith.constant 0 : i32
    %dma_wait3A_68 = arith.constant 0 : i32
    %dma_wait3A_69 = tpu.memref_slice %arg6[%dma_wait3A_58, %dma_wait3A_67, %dma_wait3A_68] : memref<2x32x768xf32, #tpu.memory_space<vmem>> -> memref<1x32x768xf32, #tpu.memory_space<vmem>>
    %dma_wait3A_70 = tpu.memref_squeeze %dma_wait3A_69 : memref<1x32x768xf32, #tpu.memory_space<vmem>> -> memref<32x768xf32, #tpu.memory_space<vmem>>
    tpu.wait_dma2 semaphore(%arg9 : memref<!tpu.dma_semaphore, #tpu.memory_space<semaphore_mem>>) src(%dma_wait3A_70 : memref<32x768xf32, #tpu.memory_space<vmem>>) dst(%dma_wait3A_66 : memref<32x768xf32, #tpu.memory_space<hbm>>)
    %dma_start3A_71 = arith.constant 0 : i32
    %dma_start3A_72 = arith.constant 0 : i32
    %dma_start3A_73 = arith.constant 0 : i32
    %dma_start3A_74 = tpu.memref_slice %arg6[%dma_start3A_71, %dma_start3A_72, %dma_start3A_73] : memref<2x32x768xf32, #tpu.memory_space<vmem>> -> memref<1x32x768xf32, #tpu.memory_space<vmem>>
    %dma_start3A_75 = tpu.memref_squeeze %dma_start3A_74 : memref<1x32x768xf32, #tpu.memory_space<vmem>> -> memref<32x768xf32, #tpu.memory_space<vmem>>
    %dma_start3A_76 = arith.constant 64 : i32
    %dma_start3A_77 = tpu.memref_slice %arg5[%dma_start3A_76] : memref<128xi32, #tpu.memory_space<vmem>> -> memref<32xi32, #tpu.memory_space<vmem>>
    %dma_start3A_78 = arith.constant 0 : i32
    %dma_start3A_79 = arith.constant 0 : i32
    %dma_start3A_80 = tpu.memref_slice %arg2[%dma_start3A_78, %dma_start3A_79] : memref<32768x768xf32, #tpu.memory_space<hbm>> -> memref<32768x768xf32, #tpu.memory_space<hbm>>
    tpu.enqueue_indirect_dma source(%dma_start3A_80 : memref<32768x768xf32, #tpu.memory_space<hbm>>) target(%dma_start3A_75 : memref<32x768xf32, #tpu.memory_space<vmem>>) offsets(%dma_start3A_77 : memref<32xi32, #tpu.memory_space<vmem>>) semaphore(%arg7 : memref<!tpu.dma_semaphore, #tpu.memory_space<semaphore_mem>>)
    %add3A_81 = arith.constant 32 : i32
    %add3A_82 = arith.addi %mul3A_2, %add3A_81 : i32
    %dma_start3A_83 = arith.constant 1 : i32
    %dma_start3A_84 = arith.constant 0 : i32
    %dma_start3A_85 = arith.constant 0 : i32
    %dma_start3A_86 = tpu.memref_slice %arg6[%dma_start3A_83, %dma_start3A_84, %dma_start3A_85] : memref<2x32x768xf32, #tpu.memory_space<vmem>> -> memref<1x32x768xf32, #tpu.memory_space<vmem>>
    %dma_start3A_87 = tpu.memref_squeeze %dma_start3A_86 : memref<1x32x768xf32, #tpu.memory_space<vmem>> -> memref<32x768xf32, #tpu.memory_space<vmem>>
    %dma_start3A_88 = arith.constant 0 : i32
    %dma_start3A_89 = tpu.memref_slice %arg4[%add3A_82, %dma_start3A_88] : memref<4096x768xf32, #tpu.memory_space<hbm>> -> memref<32x768xf32, #tpu.memory_space<hbm>>
    %dma_start3A_90 = arith.constant 0 : i32
    %dma_start3A_91 = tpu.memref_slice %arg4[%add3A_82, %dma_start3A_90] : memref<4096x768xf32, #tpu.memory_space<hbm>> -> memref<32x768xf32, #tpu.memory_space<hbm>>
    %dma_start3A_92 = arith.constant 0 : i32
    %dma_start3A_93 = arith.constant 0 : i32
    %dma_start3A_94 = tpu.memref_slice %arg6[%dma_start3A_83, %dma_start3A_92, %dma_start3A_93] : memref<2x32x768xf32, #tpu.memory_space<vmem>> -> memref<1x32x768xf32, #tpu.memory_space<vmem>>
    %dma_start3A_95 = tpu.memref_squeeze %dma_start3A_94 : memref<1x32x768xf32, #tpu.memory_space<vmem>> -> memref<32x768xf32, #tpu.memory_space<vmem>>
    tpu.enqueue_dma source(%dma_start3A_95 : memref<32x768xf32, #tpu.memory_space<vmem>>) target(%dma_start3A_91 : memref<32x768xf32, #tpu.memory_space<hbm>>) target_semaphore(%arg9 : memref<!tpu.dma_semaphore, #tpu.memory_space<semaphore_mem>>)
    %dma_wait3A_96 = arith.constant 0 : i32
    %dma_wait3A_97 = arith.constant 0 : i32
    %dma_wait3A_98 = arith.constant 0 : i32
    %dma_wait3A_99 = tpu.memref_slice %arg6[%dma_wait3A_96, %dma_wait3A_97, %dma_wait3A_98] : memref<2x32x768xf32, #tpu.memory_space<vmem>> -> memref<1x32x768xf32, #tpu.memory_space<vmem>>
    %dma_wait3A_100 = tpu.memref_squeeze %dma_wait3A_99 : memref<1x32x768xf32, #tpu.memory_space<vmem>> -> memref<32x768xf32, #tpu.memory_space<vmem>>
    %dma_wait3A_101 = arith.constant 64 : i32
    %dma_wait3A_102 = tpu.memref_slice %arg5[%dma_wait3A_101] : memref<128xi32, #tpu.memory_space<vmem>> -> memref<32xi32, #tpu.memory_space<vmem>>
    %dma_wait3A_103 = arith.constant 0 : i32
    %dma_wait3A_104 = arith.constant 0 : i32
    %dma_wait3A_105 = tpu.memref_slice %arg2[%dma_wait3A_103, %dma_wait3A_104] : memref<32768x768xf32, #tpu.memory_space<hbm>> -> memref<32768x768xf32, #tpu.memory_space<hbm>>
    tpu.wait_indirect_dma semaphore(%arg7 : memref<!tpu.dma_semaphore, #tpu.memory_space<semaphore_mem>>) src(%dma_wait3A_105 : memref<32768x768xf32, #tpu.memory_space<hbm>>) dst(%dma_wait3A_100 : memref<32x768xf32, #tpu.memory_space<vmem>>)
    %add3A_106 = arith.constant 32 : i32
    %add3A_107 = arith.addi %mul3A_2, %add3A_106 : i32
    %dma_wait3A_108 = arith.constant 1 : i32
    %dma_wait3A_109 = arith.constant 0 : i32
    %dma_wait3A_110 = arith.constant 0 : i32
    %dma_wait3A_111 = tpu.memref_slice %arg6[%dma_wait3A_108, %dma_wait3A_109, %dma_wait3A_110] : memref<2x32x768xf32, #tpu.memory_space<vmem>> -> memref<1x32x768xf32, #tpu.memory_space<vmem>>
    %dma_wait3A_112 = tpu.memref_squeeze %dma_wait3A_111 : memref<1x32x768xf32, #tpu.memory_space<vmem>> -> memref<32x768xf32, #tpu.memory_space<vmem>>
    %dma_wait3A_113 = arith.constant 0 : i32
    %dma_wait3A_114 = tpu.memref_slice %arg4[%add3A_107, %dma_wait3A_113] : memref<4096x768xf32, #tpu.memory_space<hbm>> -> memref<32x768xf32, #tpu.memory_space<hbm>>
    %dma_wait3A_115 = arith.constant 0 : i32
    %dma_wait3A_116 = tpu.memref_slice %arg4[%add3A_107, %dma_wait3A_115] : memref<4096x768xf32, #tpu.memory_space<hbm>> -> memref<32x768xf32, #tpu.memory_space<hbm>>
    %dma_wait3A_117 = arith.constant 0 : i32
    %dma_wait3A_118 = arith.constant 0 : i32
    %dma_wait3A_119 = tpu.memref_slice %arg6[%dma_wait3A_108, %dma_wait3A_117, %dma_wait3A_118] : memref<2x32x768xf32, #tpu.memory_space<vmem>> -> memref<1x32x768xf32, #tpu.memory_space<vmem>>
    %dma_wait3A_120 = tpu.memref_squeeze %dma_wait3A_119 : memref<1x32x768xf32, #tpu.memory_space<vmem>> -> memref<32x768xf32, #tpu.memory_space<vmem>>
    tpu.wait_dma2 semaphore(%arg9 : memref<!tpu.dma_semaphore, #tpu.memory_space<semaphore_mem>>) src(%dma_wait3A_120 : memref<32x768xf32, #tpu.memory_space<vmem>>) dst(%dma_wait3A_116 : memref<32x768xf32, #tpu.memory_space<hbm>>)
    %dma_start3A_121 = arith.constant 1 : i32
    %dma_start3A_122 = arith.constant 0 : i32
    %dma_start3A_123 = arith.constant 0 : i32
    %dma_start3A_124 = tpu.memref_slice %arg6[%dma_start3A_121, %dma_start3A_122, %dma_start3A_123] : memref<2x32x768xf32, #tpu.memory_space<vmem>> -> memref<1x32x768xf32, #tpu.memory_space<vmem>>
    %dma_start3A_125 = tpu.memref_squeeze %dma_start3A_124 : memref<1x32x768xf32, #tpu.memory_space<vmem>> -> memref<32x768xf32, #tpu.memory_space<vmem>>
    %dma_start3A_126 = arith.constant 96 : i32
    %dma_start3A_127 = tpu.memref_slice %arg5[%dma_start3A_126] : memref<128xi32, #tpu.memory_space<vmem>> -> memref<32xi32, #tpu.memory_space<vmem>>
    %dma_start3A_128 = arith.constant 0 : i32
    %dma_start3A_129 = arith.constant 0 : i32
    %dma_start3A_130 = tpu.memref_slice %arg2[%dma_start3A_128, %dma_start3A_129] : memref<32768x768xf32, #tpu.memory_space<hbm>> -> memref<32768x768xf32, #tpu.memory_space<hbm>>
    tpu.enqueue_indirect_dma source(%dma_start3A_130 : memref<32768x768xf32, #tpu.memory_space<hbm>>) target(%dma_start3A_125 : memref<32x768xf32, #tpu.memory_space<vmem>>) offsets(%dma_start3A_127 : memref<32xi32, #tpu.memory_space<vmem>>) semaphore(%arg8 : memref<!tpu.dma_semaphore, #tpu.memory_space<semaphore_mem>>)
    %add3A_131 = arith.constant 64 : i32
    %add3A_132 = arith.addi %mul3A_2, %add3A_131 : i32
    %dma_start3A_133 = arith.constant 0 : i32
    %dma_start3A_134 = arith.constant 0 : i32
    %dma_start3A_135 = arith.constant 0 : i32
    %dma_start3A_136 = tpu.memref_slice %arg6[%dma_start3A_133, %dma_start3A_134, %dma_start3A_135] : memref<2x32x768xf32, #tpu.memory_space<vmem>> -> memref<1x32x768xf32, #tpu.memory_space<vmem>>
    %dma_start3A_137 = tpu.memref_squeeze %dma_start3A_136 : memref<1x32x768xf32, #tpu.memory_space<vmem>> -> memref<32x768xf32, #tpu.memory_space<vmem>>
    %dma_start3A_138 = arith.constant 0 : i32
    %dma_start3A_139 = tpu.memref_slice %arg4[%add3A_132, %dma_start3A_138] : memref<4096x768xf32, #tpu.memory_space<hbm>> -> memref<32x768xf32, #tpu.memory_space<hbm>>
    %dma_start3A_140 = arith.constant 0 : i32
    %dma_start3A_141 = tpu.memref_slice %arg4[%add3A_132, %dma_start3A_140] : memref<4096x768xf32, #tpu.memory_space<hbm>> -> memref<32x768xf32, #tpu.memory_space<hbm>>
    %dma_start3A_142 = arith.constant 0 : i32
    %dma_start3A_143 = arith.constant 0 : i32
    %dma_start3A_144 = tpu.memref_slice %arg6[%dma_start3A_133, %dma_start3A_142, %dma_start3A_143] : memref<2x32x768xf32, #tpu.memory_space<vmem>> -> memref<1x32x768xf32, #tpu.memory_space<vmem>>
    %dma_start3A_145 = tpu.memref_squeeze %dma_start3A_144 : memref<1x32x768xf32, #tpu.memory_space<vmem>> -> memref<32x768xf32, #tpu.memory_space<vmem>>
    tpu.enqueue_dma source(%dma_start3A_145 : memref<32x768xf32, #tpu.memory_space<vmem>>) target(%dma_start3A_141 : memref<32x768xf32, #tpu.memory_space<hbm>>) target_semaphore(%arg9 : memref<!tpu.dma_semaphore, #tpu.memory_space<semaphore_mem>>)
    %dma_wait3A_146 = arith.constant 1 : i32
    %dma_wait3A_147 = arith.constant 0 : i32
    %dma_wait3A_148 = arith.constant 0 : i32
    %dma_wait3A_149 = tpu.memref_slice %arg6[%dma_wait3A_146, %dma_wait3A_147, %dma_wait3A_148] : memref<2x32x768xf32, #tpu.memory_space<vmem>> -> memref<1x32x768xf32, #tpu.memory_space<vmem>>
    %dma_wait3A_150 = tpu.memref_squeeze %dma_wait3A_149 : memref<1x32x768xf32, #tpu.memory_space<vmem>> -> memref<32x768xf32, #tpu.memory_space<vmem>>
    %dma_wait3A_151 = arith.constant 96 : i32
    %dma_wait3A_152 = tpu.memref_slice %arg5[%dma_wait3A_151] : memref<128xi32, #tpu.memory_space<vmem>> -> memref<32xi32, #tpu.memory_space<vmem>>
    %dma_wait3A_153 = arith.constant 0 : i32
    %dma_wait3A_154 = arith.constant 0 : i32
    %dma_wait3A_155 = tpu.memref_slice %arg2[%dma_wait3A_153, %dma_wait3A_154] : memref<32768x768xf32, #tpu.memory_space<hbm>> -> memref<32768x768xf32, #tpu.memory_space<hbm>>
    tpu.wait_indirect_dma semaphore(%arg8 : memref<!tpu.dma_semaphore, #tpu.memory_space<semaphore_mem>>) src(%dma_wait3A_155 : memref<32768x768xf32, #tpu.memory_space<hbm>>) dst(%dma_wait3A_150 : memref<32x768xf32, #tpu.memory_space<vmem>>)
    %add3A_156 = arith.constant 96 : i32
    %add3A_157 = arith.addi %mul3A_2, %add3A_156 : i32
    %dma_start3A_158 = arith.constant 1 : i32
    %dma_start3A_159 = arith.constant 0 : i32
    %dma_start3A_160 = arith.constant 0 : i32
    %dma_start3A_161 = tpu.memref_slice %arg6[%dma_start3A_158, %dma_start3A_159, %dma_start3A_160] : memref<2x32x768xf32, #tpu.memory_space<vmem>> -> memref<1x32x768xf32, #tpu.memory_space<vmem>>
    %dma_start3A_162 = tpu.memref_squeeze %dma_start3A_161 : memref<1x32x768xf32, #tpu.memory_space<vmem>> -> memref<32x768xf32, #tpu.memory_space<vmem>>
    %dma_start3A_163 = arith.constant 0 : i32
    %dma_start3A_164 = tpu.memref_slice %arg4[%add3A_157, %dma_start3A_163] : memref<4096x768xf32, #tpu.memory_space<hbm>> -> memref<32x768xf32, #tpu.memory_space<hbm>>
    %dma_start3A_165 = arith.constant 0 : i32
    %dma_start3A_166 = tpu.memref_slice %arg4[%add3A_157, %dma_start3A_165] : memref<4096x768xf32, #tpu.memory_space<hbm>> -> memref<32x768xf32, #tpu.memory_space<hbm>>
    %dma_start3A_167 = arith.constant 0 : i32
    %dma_start3A_168 = arith.constant 0 : i32
    %dma_start3A_169 = tpu.memref_slice %arg6[%dma_start3A_158, %dma_start3A_167, %dma_start3A_168] : memref<2x32x768xf32, #tpu.memory_space<vmem>> -> memref<1x32x768xf32, #tpu.memory_space<vmem>>
    %dma_start3A_170 = tpu.memref_squeeze %dma_start3A_169 : memref<1x32x768xf32, #tpu.memory_space<vmem>> -> memref<32x768xf32, #tpu.memory_space<vmem>>
    tpu.enqueue_dma source(%dma_start3A_170 : memref<32x768xf32, #tpu.memory_space<vmem>>) target(%dma_start3A_166 : memref<32x768xf32, #tpu.memory_space<hbm>>) target_semaphore(%arg9 : memref<!tpu.dma_semaphore, #tpu.memory_space<semaphore_mem>>)
    %add3A_171 = arith.constant 64 : i32
    %add3A_172 = arith.addi %mul3A_2, %add3A_171 : i32
    %dma_wait3A_173 = arith.constant 0 : i32
    %dma_wait3A_174 = arith.constant 0 : i32
    %dma_wait3A_175 = arith.constant 0 : i32
    %dma_wait3A_176 = tpu.memref_slice %arg6[%dma_wait3A_173, %dma_wait3A_174, %dma_wait3A_175] : memref<2x32x768xf32, #tpu.memory_space<vmem>> -> memref<1x32x768xf32, #tpu.memory_space<vmem>>
    %dma_wait3A_177 = tpu.memref_squeeze %dma_wait3A_176 : memref<1x32x768xf32, #tpu.memory_space<vmem>> -> memref<32x768xf32, #tpu.memory_space<vmem>>
    %dma_wait3A_178 = arith.constant 0 : i32
    %dma_wait3A_179 = tpu.memref_slice %arg4[%add3A_172, %dma_wait3A_178] : memref<4096x768xf32, #tpu.memory_space<hbm>> -> memref<32x768xf32, #tpu.memory_space<hbm>>
    %dma_wait3A_180 = arith.constant 0 : i32
    %dma_wait3A_181 = tpu.memref_slice %arg4[%add3A_172, %dma_wait3A_180] : memref<4096x768xf32, #tpu.memory_space<hbm>> -> memref<32x768xf32, #tpu.memory_space<hbm>>
    %dma_wait3A_182 = arith.constant 0 : i32
    %dma_wait3A_183 = arith.constant 0 : i32
    %dma_wait3A_184 = tpu.memref_slice %arg6[%dma_wait3A_173, %dma_wait3A_182, %dma_wait3A_183] : memref<2x32x768xf32, #tpu.memory_space<vmem>> -> memref<1x32x768xf32, #tpu.memory_space<vmem>>
    %dma_wait3A_185 = tpu.memref_squeeze %dma_wait3A_184 : memref<1x32x768xf32, #tpu.memory_space<vmem>> -> memref<32x768xf32, #tpu.memory_space<vmem>>
    tpu.wait_dma2 semaphore(%arg9 : memref<!tpu.dma_semaphore, #tpu.memory_space<semaphore_mem>>) src(%dma_wait3A_185 : memref<32x768xf32, #tpu.memory_space<vmem>>) dst(%dma_wait3A_181 : memref<32x768xf32, #tpu.memory_space<hbm>>)
    %add3A_186 = arith.constant 96 : i32
    %add3A_187 = arith.addi %mul3A_2, %add3A_186 : i32
    %dma_wait3A_188 = arith.constant 1 : i32
    %dma_wait3A_189 = arith.constant 0 : i32
    %dma_wait3A_190 = arith.constant 0 : i32
    %dma_wait3A_191 = tpu.memref_slice %arg6[%dma_wait3A_188, %dma_wait3A_189, %dma_wait3A_190] : memref<2x32x768xf32, #tpu.memory_space<vmem>> -> memref<1x32x768xf32, #tpu.memory_space<vmem>>
    %dma_wait3A_192 = tpu.memref_squeeze %dma_wait3A_191 : memref<1x32x768xf32, #tpu.memory_space<vmem>> -> memref<32x768xf32, #tpu.memory_space<vmem>>
    %dma_wait3A_193 = arith.constant 0 : i32
    %dma_wait3A_194 = tpu.memref_slice %arg4[%add3A_187, %dma_wait3A_193] : memref<4096x768xf32, #tpu.memory_space<hbm>> -> memref<32x768xf32, #tpu.memory_space<hbm>>
    %dma_wait3A_195 = arith.constant 0 : i32
    %dma_wait3A_196 = tpu.memref_slice %arg4[%add3A_187, %dma_wait3A_195] : memref<4096x768xf32, #tpu.memory_space<hbm>> -> memref<32x768xf32, #tpu.memory_space<hbm>>
    %dma_wait3A_197 = arith.constant 0 : i32
    %dma_wait3A_198 = arith.constant 0 : i32
    %dma_wait3A_199 = tpu.memref_slice %arg6[%dma_wait3A_188, %dma_wait3A_197, %dma_wait3A_198] : memref<2x32x768xf32, #tpu.memory_space<vmem>> -> memref<1x32x768xf32, #tpu.memory_space<vmem>>
    %dma_wait3A_200 = tpu.memref_squeeze %dma_wait3A_199 : memref<1x32x768xf32, #tpu.memory_space<vmem>> -> memref<32x768xf32, #tpu.memory_space<vmem>>
    tpu.wait_dma2 semaphore(%arg9 : memref<!tpu.dma_semaphore, #tpu.memory_space<semaphore_mem>>) src(%dma_wait3A_200 : memref<32x768xf32, #tpu.memory_space<vmem>>) dst(%dma_wait3A_196 : memref<32x768xf32, #tpu.memory_space<hbm>>)
    return
  }
}

module attributes {stable_mosaic.version = 14 : i64} {
  func.func @_score_body(%arg0: i32, %arg1: memref<4096x768xf32, #tpu.memory_space<vmem>>, %arg2: memref<4096xf32, #tpu.memory_space<vmem>>, %arg3: memref<4096xf32, #tpu.memory_space<vmem>>, %arg4: memref<1x768xf32, #tpu.memory_space<vmem>>, %arg5: memref<1x768xf32, #tpu.memory_space<vmem>>, %arg6: memref<128x768xf32, #tpu.memory_space<vmem>>, %arg7: memref<4096xf32, #tpu.memory_space<vmem>>) attributes {dimension_semantics = [#tpu.dimension_semantics<arbitrary>], iteration_bounds = array<i64: 8>, scalar_prefetch = 0 : i64, scratch_operands = 0 : i64, tpu.core_type = #tpu.core_type<tc>, window_params = [{transform_indices = @transform_0, window_bounds = array<i64: 4096, 768>}, {transform_indices = @transform_1, window_bounds = array<i64: 4096>}, {transform_indices = @transform_2, window_bounds = array<i64: 4096>}, {pipeline_mode = #tpu.pipeline_mode<synchronous>, transform_indices = @transform_3, window_bounds = array<i64: 1, 768>}, {pipeline_mode = #tpu.pipeline_mode<synchronous>, transform_indices = @transform_4, window_bounds = array<i64: 1, 768>}, {pipeline_mode = #tpu.pipeline_mode<synchronous>, transform_indices = @transform_5, window_bounds = array<i64: 128, 768>}, {transform_indices = @transform_6, window_bounds = array<i64: 4096>}]} {
    %get3A = arith.constant 0 : index
    %get3A_0 = arith.constant 0 : index
    %get3A_1 = vector.load %arg1[%get3A, %get3A_0] : memref<4096x768xf32, #tpu.memory_space<vmem>>, vector<4096x768xf32>
    %get3A_2 = arith.constant 0 : index
    %get3A_3 = vector.load %arg2[%get3A_2] : memref<4096xf32, #tpu.memory_space<vmem>>, vector<4096xf32>
    %reshape3A = vector.shape_cast %get3A_3 : vector<4096xf32> to vector<4096x1xf32>
    %get3A_4 = arith.constant 0 : index
    %get3A_5 = vector.load %arg3[%get3A_4] : memref<4096xf32, #tpu.memory_space<vmem>>, vector<4096xf32>
    %reshape3A_6 = vector.shape_cast %get3A_5 : vector<4096xf32> to vector<4096x1xf32>
    %sub3A = vector.broadcast %reshape3A : vector<4096x1xf32> to vector<4096x768xf32>
    %sub3A_7 = arith.subf %get3A_1, %sub3A : vector<4096x768xf32>
    %div3A = vector.broadcast %reshape3A_6 : vector<4096x1xf32> to vector<4096x768xf32>
    %div3A_8 = arith.divf %sub3A_7, %div3A : vector<4096x768xf32>
    %get3A_9 = arith.constant 0 : index
    %get3A_10 = arith.constant 0 : index
    %get3A_11 = vector.load %arg4[%get3A_9, %get3A_10] : memref<1x768xf32, #tpu.memory_space<vmem>>, vector<1x768xf32>
    %mul3A = vector.broadcast %get3A_11 : vector<1x768xf32> to vector<4096x768xf32>
    %mul3A_12 = arith.mulf %div3A_8, %mul3A : vector<4096x768xf32>
    %get3A_13 = arith.constant 0 : index
    %get3A_14 = arith.constant 0 : index
    %get3A_15 = vector.load %arg5[%get3A_13, %get3A_14] : memref<1x768xf32, #tpu.memory_space<vmem>>, vector<1x768xf32>
    %add3A = vector.broadcast %get3A_15 : vector<1x768xf32> to vector<4096x768xf32>
    %add3A_16 = arith.addf %mul3A_12, %add3A : vector<4096x768xf32>
    %convert_element_type3A = arith.truncf %add3A_16 : vector<4096x768xf32> to vector<4096x768xbf16>
    %get3A_17 = arith.constant 0 : index
    %get3A_18 = arith.constant 0 : index
    %get3A_19 = vector.load %arg6[%get3A_17, %get3A_18] : memref<128x768xf32, #tpu.memory_space<vmem>>, vector<128x768xf32>
    %convert_element_type3A_20 = arith.truncf %get3A_19 : vector<128x768xf32> to vector<128x768xbf16>
    %dot_general3A = arith.constant dense<0.000000e+00> : vector<4096x128xf32>
    %dot_general3A_21 = tpu.matmul %convert_element_type3A, %convert_element_type3A_20, %dot_general3A {dimension_numbers = #tpu.dot_dimension_numbers<[1], [1], [0], [0], [0, 0, 1, 0], [], []>, transpose_lhs_hint = false} : vector<4096x768xbf16>, vector<128x768xbf16>, vector<4096x128xf32> -> vector<4096x128xf32>
    %slice3A = vector.extract_strided_slice %dot_general3A_21 {offsets = [0, 0], sizes = [4096, 1], strides = [1, 1]} : vector<4096x128xf32> to vector<4096x1xf32>
    %reshape3A_22 = vector.shape_cast %slice3A : vector<4096x1xf32> to vector<4096xf32>
    %swap3A = arith.constant 0 : index
    %swap3A_23 = vector.load %arg7[%swap3A] : memref<4096xf32, #tpu.memory_space<vmem>>, vector<4096xf32>
    tpu.vector_store %arg7[%swap3A], %reshape3A_22 {strides = array<i32>} : memref<4096xf32, #tpu.memory_space<vmem>>, vector<4096xf32>,
    return
  }
  func.func @transform_0(%arg0: i32) -> (i32, i32) {
    %c0_i32 = arith.constant 0 : i32
    %c0_i32_0 = arith.constant 0 : i32
    return %arg0, %c0_i32 : i32, i32
  }
  func.func @transform_1(%arg0: i32) -> i32 {
    %c0_i32 = arith.constant 0 : i32
    return %arg0 : i32
  }
  func.func @transform_2(%arg0: i32) -> i32 {
    %c0_i32 = arith.constant 0 : i32
    return %arg0 : i32
  }
  func.func @transform_3(%arg0: i32) -> (i32, i32) {
    %c0_i32 = arith.constant 0 : i32
    %c0_i32_0 = arith.constant 0 : i32
    %c0_i32_1 = arith.constant 0 : i32
    return %c0_i32, %c0_i32_0 : i32, i32
  }
  func.func @transform_4(%arg0: i32) -> (i32, i32) {
    %c0_i32 = arith.constant 0 : i32
    %c0_i32_0 = arith.constant 0 : i32
    %c0_i32_1 = arith.constant 0 : i32
    return %c0_i32, %c0_i32_0 : i32, i32
  }
  func.func @transform_5(%arg0: i32) -> (i32, i32) {
    %c0_i32 = arith.constant 0 : i32
    %c0_i32_0 = arith.constant 0 : i32
    %c0_i32_1 = arith.constant 0 : i32
    return %c0_i32, %c0_i32_0 : i32, i32
  }
  func.func @transform_6(%arg0: i32) -> i32 {
    %c0_i32 = arith.constant 0 : i32
    return %arg0 : i32
  }
}

</mosaic_0001>

<sc_bundles>
// kernel: kernel.4.cloned.1.call-start
scs
__scs_entry_jumppad:
0x0: {  	(pc) =	sbr.rel $0x88, $3  }
0x1: {  	(tag) =	ssettag $0x0;
	lr =	simm.s32 $0x1  }
0x2: {  	[smem:$0x3F9C] =	sst lr;
	_ =	strace $0xD0000000  }
0x3: {  	_ = 	snop  }
0x4: {  	_ = 	snop  }
0x5: {  	_ = 	snop  }
0x6: {  	_ = 	snop  }
0x7: {  	_ = 	snop  }
__scs_overlays_trampoline_lowered:
0x8: {  	[smem:$0x3FAB] =	sst s0  }
0x9: {  	[smem:$0x3FAC] =	sst s1  }
0xa: {  	[smem:$0x3FAD] =	sst s2  }
0xb: {  	[smem:$0x3FAE] =	sst s3  }
0xc: {  	[smem:$0x3FAF] =	sst s4  }
0xd: {  	[smem:$0x3FB0] =	sst s5  }
0xe: {  	[smem:$0x3FB1] =	sst s6  }
0xf: {  	[smem:$0x3FB2] =	sst s7  }
0x10: {  	[smem:$0x3FB3] =	sst s8  }
0x11: {  	[smem:$0x3FB4] =	sst s9;
	s0 =	simm.s32 @!p0 $0x0  }
0x12: {  	s1 =	sld [smem:$0x3F9A];
	s0 =	simm.s32 @p0 $0x1  }
0x13: {  	[smem:$0x3FB5] =	sst s0;
	s0 =	simm.s32 @!p1 $0x0  }
0x14: {  	s2 =	sld [smem:$0x3F99];
	s0 =	simm.s32 @p1 $0x1  }
0x15: {  	[smem:$0x3FB6] =	sst s0;
	s0 =	simm.s32 @!p2 $0x0  }
0x16: {  	s3 =	sld [smem:$0x3FDB];
	s0 =	simm.s32 @p2 $0x1  }
0x17: {  	s4 =	simm.s32 $0x1BF5;
	[smem:$0x3FB8] =	sst s0  }
0x18: {  	s0 =	sld [smem:$0x3F9B];
	_ =	swait.ge [sflag:s4], $0x0  }
0x19: {  	s7 =	sld [smem:$0x3F9C]  }
0x1a: {  	s8 =	sadd.s32 $0xFFFFE003, lr  }
0x1b: {  	s9 =	sadd.s32 $0xFFFFFEF7, lr;
	s5 =	simm.s32 $0xFFFFFFFF;
	p2 =	slt.u32 s8, $0xFFFFF086  }
0x1c: {  	p1 =	slt.u32 s9, $0xF7A;
	s5 =	simm.s32 @!p2 $0x0  }
0x1d: {  	s5 =	simm.s32 @p1 $0x1;
	p0 =	seq.s32 s7, s2  }
0x1e: {  	s7 =	smul.u32 @!p0 $0xF7A, s2;
	p2 =	seq.s32 @!p0 s5, $0x0  }
0x1f: {  	s9 =	smul.u32 $0xF7A, s1;
	s8 =	simm.s32 @!p0 $0x1BF5;
	p2 =	por !p2, p0  }
0x20: {  	[sflag:s8] =	ssyncset.s32 @!p0 $0xFFFFF086;
	s6 =	sadd.s32 @!p0 s3, s7;
	s7 =	simm.s32 @!p0 $0x108  }
0x21: {  	s3 =	sadd.s32 s3, s9;
	s6 =	sadd.s32 @!p0 $0x88, s6;
	s7 =	simm.s32 @p2 $0x1082  }
0x22: {  	[simem:s7], [sflag:s8] =	dma.local @!p0 [hbm:s6], $0xF7A  }
0x23: {  	s9 =	sor.u32 $0xD0000000, s2;
	s6 =	simm.s32 $0x108;
	_ =	swait.ge @!p0 [sflag:s8], $0x0  }
0x24: {  	s3 =	sadd.s32 $0x88, s3;
	s6 =	simm.s32 @!p1 $0x1082;
	[sflag:s4] =	ssyncset.s32 $0xFFFFF086  }
0x25: {  	[simem:s6], [sflag:s4] =	dma.local [hbm:s3], $0xF7A  }
0x26: {  	[smem:$0x3F9C] =	sst s1;
	(tag) =	ssettag s2;
	_ =	strace s9  }
0x27: {  	s1 =	sld [smem:$0x3FAC]  }
0x28: {  	s2 =	sld [smem:$0x3FAD]  }
0x29: {  	s4 =	sld [smem:$0x3FAF]  }
0x2a: {  	p0 =	seq.s32 s5, $0x0;
	s5 =	sld [smem:$0x3FB0]  }
0x2b: {  	s6 =	sld [smem:$0x3FB1]  }
0x2c: {  	s7 =	sld [smem:$0x3FB2]  }
0x2d: {  	s3 =	simm.s32 $0x108;
	s8 =	sld [smem:$0x3FB3]  }
0x2e: {  	s3 =	simm.s32 @!p0 $0x1082;
	s9 =	sld [smem:$0x3FB4]  }
0x2f: {  	lr =	sadd.s32 s0, s3;
	s0 =	sld [smem:$0x3FAB]  }
0x30: {  	s3 =	sld [smem:$0x3FAE]  }
0x31: {  	[smem:$0x3FB7] =	sst s10  }
0x32: {  	s10 =	sld [smem:$0x3FB5];
	_ =	sdelay $0x3  }
0x33: {  	p0 =	seq.s32 s10, $0x1;
	s10 =	sld [smem:$0x3FB7];
	_ =	sdelay $0x3  }
0x34: {  	[smem:$0x3FB7] =	sst s10  }
0x35: {  	s10 =	sld [smem:$0x3FB6];
	_ =	sdelay $0x3  }
0x36: {  	p1 =	seq.s32 s10, $0x1;
	s10 =	sld [smem:$0x3FB7];
	_ =	sdelay $0x3  }
0x37: {  	[smem:$0x3FB7] =	sst s10  }
0x38: {  	s10 =	sld [smem:$0x3FB8]  }
0x39: {  	_ = 	snop;
	(pc) =	sbr.ind lr, $3  }
0x3a: {  	_ = 	snop  }
0x3b: {  	_ = 	snop  }
0x3c: {  	p2 =	seq.s32 s10, $0x1;
	s10 =	sld [smem:$0x3FB7]  }
0x3d: {  	_ =	shalt  }
0x3e: {  	_ =	shalt  }
0x3f: {  	_ =	shalt  }
0x40: {  	_ =	shalt  }
0x41: {  	_ =	shalt  }
0x42: {  	_ =	shalt  }
0x43: {  	_ =	shalt  }
0x44: {  	_ =	shalt  }
0x45: {  	_ =	shalt  }
0x46: {  	_ =	shalt  }
0x47: {  	_ =	shalt  }
0x48: {  	_ =	shalt  }
0x49: {  	_ =	shalt  }
0x4a: {  	_ =	shalt  }
0x4b: {  	_ =	shalt  }
0x4c: {  	_ =	shalt  }
0x4d: {  	_ =	shalt  }
0x4e: {  	_ =	shalt  }
0x4f: {  	_ =	shalt  }
0x50: {  	_ =	shalt  }
0x51: {  	_ =	shalt  }
0x52: {  	_ =	shalt  }
0x53: {  	_ =	shalt  }
0x54: {  	_ =	shalt  }
0x55: {  	_ =	shalt  }
0x56: {  	_ =	shalt  }
0x57: {  	_ =	shalt  }
0x58: {  	_ =	shalt  }
0x59: {  	_ =	shalt  }
0x5a: {  	_ =	shalt  }
0x5b: {  	_ =	shalt  }
0x5c: {  	_ =	shalt  }
0x5d: {  	_ =	shalt  }
0x5e: {  	_ =	shalt  }
0x5f: {  	_ =	shalt  }
0x60: {  	_ =	shalt  }
0x61: {  	_ =	shalt  }
0x62: {  	_ =	shalt  }
0x63: {  	_ =	shalt  }
0x64: {  	_ =	shalt  }
0x65: {  	_ =	shalt  }
0x66: {  	_ =	shalt  }
0x67: {  	_ =	shalt  }
0x68: {  	_ =	shalt  }
0x69: {  	_ =	shalt  }
0x6a: {  	_ =	shalt  }
0x6b: {  	_ =	shalt  }
0x6c: {  	_ =	shalt  }
0x6d: {  	_ =	shalt  }
0x6e: {  	_ =	shalt  }
0x6f: {  	_ =	shalt  }
0x70: {  	_ =	shalt  }
0x71: {  	_ =	shalt  }
0x72: {  	_ =	shalt  }
0x73: {  	_ =	shalt  }
0x74: {  	_ =	shalt  }
0x75: {  	_ =	shalt  }
0x76: {  	_ =	shalt  }
0x77: {  	_ =	shalt  }
0x78: {  	_ =	shalt  }
0x79: {  	_ =	shalt  }
0x7a: {  	_ =	shalt  }
0x7b: {  	_ =	shalt  }
0x7c: {  	_ =	shalt  }
0x7d: {  	_ =	shalt  }
0x7e: {  	_ =	shalt  }
0x7f: {  	_ =	shalt  }
0x80: {  	_ =	shalt  }
0x81: {  	_ =	shalt  }
0x82: {  	_ =	shalt  }
0x83: {  	_ =	shalt  }
0x84: {  	_ =	shalt  }
0x85: {  	_ =	shalt  }
0x86: {  	_ =	shalt  }
0x87: {  	_ =	shalt  }
.Lfunc_end0:
.L_simem_size_0:
called_computation_lowered:
.L_overlay_start_0:
0x88: {  	s2 =	sld [smem:$0x3FD9]  }
0x89: {  	s3 =	sld [smem:$0x3FFE];
	_ =	sdelay $0x1  }
0x8a: {  	s1 =	srdreg.scid  }
0x8b: {  	s0 =	sand.u32 $0x1, s1  }
0x8c: {  	s17 =	sshll.u32 s0, $0xA;
	s2 =	sadd.s32 s3, s2  }
0x8d: {  	s2 =	sadd.s32 s2, s17  }
0x8e: {  	[smem:$0x3FC3] =	sst s2  }
0x8f: {  	_ = 	snop  }
0x90: {  	s2 =	sld [smem:$0x3FC9]  }
0x91: {  	s18 =	sld [smem:$0x3FD0];
	(tm) =	ssettm $0x1  }
0x92: {  	s4 =	sld [smem:$0x3FFB];
	_ =	sdelay $0x3  }
0x93: {  	_ =	strace s4  }
0x94: {  	s4 =	sld [smem:$0x3FFC];
	_ =	sdelay $0x3  }
0x95: {  	_ =	strace s4  }
0x96: {  	s4 =	sld [smem:$0x3FFD];
	_ =	sdelay $0x3  }
0x97: {  	_ =	strace s4  }
0x98: {  	_ =	strace $0x8FFFFFFF  }
0x99: {  	s19 =	sld [smem:$0x3FDB];
	_ =	sdelay $0x1  }
0x9a: {  	s5 =	simm.s32 $_scs_section_size  }
0x9b: {  	s6 =	simm.s32 $_size__tile_overlayer_lowered;
	s7 =	simm.s32 $_tile_overlayer_lowered  }
0x9c: {  	s22 =	simm.s32 $0x1BFF;
	s21 =	sshll.u32 s7, $0x1;
	s4 =	sadd.s32 s5, s19  }
0x9d: {  	s8 =	simm.s32 $0x0;
	s20 =	sshll.u32 s6, $0x1;
	s6 =	sadd.s32 s21, s4  }
0x9e: {  	[timem:s8], [sflag:s22] =	dma.local [hbm:s6], s20  }
0x9f: {  	_ =	swait.ge [sflag:s22], s20  }
0xa0: {  	s5 =	ssub.s32 $0x0, s20;
	[sflag:s22] =	ssyncset.done $0x0  }
0xa1: {  	[sflag:s22] =	ssyncadd.s32 s5;
	_ =	sdelay $0x1  }
0xa2: {  	s23 =	simm.s32 $0x1B8B  }
0xa3: {  	_ =	swait.ge [sflag:s23], $0x1  }
0xa4: {  	[sflag:s23] =	ssyncset.done $0x0  }
0xa5: {  	s25 =	simm.s32 $0x1B8E;
	s24 =	sld [smem:$0x3FFE];
	[sflag:s23] =	ssyncadd.s32 $0xFFFFFFFF  }
0xa6: {  	s26 =	simm.s32 $execute0_lowered;
	[smem:$0x3FD2] =	sst s25  }
0xa7: {  	s6 =	sshll.u32 s26, $0x1;
	_ =	strace $0x80000046;
	[dreg:$0x1] =	wrdreg $0xFFFFFFFF  }
0xa8: {  	s28 =	simm.s32 $_size_execute0_lowered;
	s4 =	sadd.s32 s4, s6;
	[dreg:$0x0] =	wrdreg $0x0  }
0xa9: {  	s6 =	sshll.u32 s28, $0x1;
	[dreg:$0x2] =	wrdreg s4  }
0xaa: {  	[dreg:$0x3] =	wrdreg s6  }
0xab: {  	[dreg:$0x4] =	wrdreg $0xC0  }
0xac: {  	_ =	task [dreg:s8], $0x5FFFF  }
0xad: {  	[dreg:$0x1] =	wrdreg $0xFFFFFFFF  }
0xae: {  	[dreg:$0x0] =	wrdreg $0x60  }
0xaf: {  	[dreg:$0x2] =	wrdreg s2  }
0xb0: {  	[dreg:$0x3] =	wrdreg s24  }
0xb1: {  	[dreg:$0x4] =	wrdreg s18  }
0xb2: {  	[dreg:$0x5] =	wrdreg $0x9  }
0xb3: {  	_ =	task.clear_ibuf [dreg:s8], $0x6FFFF;
	_ =	strace $0x90000046  }
0xb4: {  	s29 =	simm.s32 $0x9;
	_ =	strace $0x80000048  }
0xb5: {  	_ =	swait.ge [sflag:s29], $0x1  }
0xb6: {  	[sflag:s29] =	ssyncadd.s32 $0xFFFFFFFF  }
0xb7: {  	_ =	strace $0x90000048  }
0xb8: {  	_ =	sfence  }
0xb9: {  	s30 =	sld [smem:$0x0];
	_ =	sdelay $0x2  }
0xba: {  	s31 =	sshll.u32 s1, $0xD;
	s1 =	sshrl.u32 s1, $0x2  }
0xbb: {  	s3 =	sand.u32 $0x4000, s31;
	s1 =	sadd.s32 s1, s30  }
0xbc: {  	s0 =	sor.u32 s3, s0;
	s1 =	sshll.u32 s1, $0x11  }
0xbd: {  	s0 =	sor.u32 s1, s0  }
0xbe: {  	s0 =	sadd.s32 $0x8F2B, s0  }
0xbf: {  	[sflag:s0] =	ssyncadd.remote.s32 $0x1  }
0xc0: {  	_ =	sfence.sel $0xFFFF  }
0xc1: {  	[dreg:$0x0] =	wrdreg $0xFFFFFFFF;
	(pc) =	sbr.abs _section_cstart, $3  }
0xc2: {  	[dreg:$0x1] =	wrdreg $0xFFFFFFFF  }
0xc3: {  	_ =	task.clear_ibuf [dreg:s8], $0x2FFFF;
	_ =	strace $0x9FFFFFFF  }
0xc4: {  	(tm) =	ssettm $0x7FFFFFFF  }
0xc5: {  	_ =	shalt  }
tec
execute0_lowered:
.L_overlay_start_1:
0x0: {  	(tag) =	ssettag $0x1  }
0x1: {  	s1 =	rddreg [dreg:$0x0];
	s0 =	srdreg.scid  }
0x2: {  	s2 =	rddreg [dreg:$0x1];
	s3 =	stileid.u32  }
0x3: {  	s4 =	rddreg [dreg:$0x2];
	s10 =	simm.s32 $0x2;
	s11 =	simm.s32 $0x3  }
0x4: {  	s22 =	simm.s32 $0x80;
	s13 =	simm.s32 $0x880;
	s14 =	simm.s32 $0x1080  }
0x5: {  	s15 =	simm.s32 $0x1880;
	s16 =	simm.s32 $0x2080;
	s17 =	simm.s32 $0x2880  }
0x6: {  	s18 =	simm.s32 $0x3080;
	s19 =	simm.s32 $0x3880;
	s20 =	simm.s32 $0x4080  }
0x7: {  	s21 =	simm.s32 $0x6080;
	s28 =	simm.s32 $0x7080;
	s29 =	simm.s32 $0x7880  }
0x8: {  	s30 =	simm.s32 $0x8080;
	s31 =	simm.s32 $0x8880;
	s0 =	sand.u32 $0x1, s0  }
0x9: {  	s9 =	simm.s32 $0xB080;
	s3 =	sshll.u32 s3, $0x5;
	s5 =	sshll.u32 s0, $0x4  }
0xa: {  	s0 =	ssub.s32 $0x2, s0;
	s5 =	sor.u32 s5, s3;
	s3 =	simm.s32 $0x0  }
0xb: {  	s7 =	sshrl.u32 s0, $0x1;
	s6 =	smul.u32 $0x300, s5;
	[smem:$0x7FF] =	sst s3  }
0xc: {  	s8 =	smul.u32 $0x1800, s5;
	s0 =	ssub.s32 s0, s7;
	s2 =	sadd.s32 s2, s5  }
0xd: {  	s5 =	sadd.s32 $0x100, s1;
	_ =	strace $0x80000047;
	[dreg:$0x4] =	wrdreg s2  }
0xe: {  	s7 =	smax.u32 s0, $0x1;
	s2 =	simm.s32 $0x9080;
	s6 =	sadd.s32 s4, s6  }
0xf: {  	s23 =	sshrl.u32 s8, $0x3;
	s8 =	simm.s32 $0xA880;
	[dreg:$0x8] =	wrdreg s6  }
0x10: {  	s24 =	sadd.s32 $0xC00, s6;
	s4 =	sadd.s32 s4, s23;
	s6 =	sadd.s32 $0x200, s1  }
0x11: {  	v2 =	vlaneseq.u32;
	s23 =	simm.s32 $0x4880;
	[dreg:$0x5] =	wrdreg s24;
	s25 =	sadd.s32 $0x1800, s4  }
0x12: {  	vm0 =	vmmov $0xffff;
	v1 =	vshrl.u32 v2, $0x3;
	s26 =	sadd.s32 $0x2400, s4;
	s24 =	simm.s32 $0x5080;
	[dreg:$0x6] =	wrdreg s25  }
0x13: {  	v0 =	vand.u32 $0x7, v2;
	v2 =	vor.u32 $0x8, v2;
	v1 =	vmul.u32 $0x8, v1;
	[dreg:$0x7] =	wrdreg s26;
	s25 =	simm.s32 $0x5880;
	s26 =	simm.s32 $0x6880  }
.LBB2_1:
0x14: {  	s12 =	rddreg [dreg:$0x4];
	s0 =	simm.s32 $0x4  }
0x15: {  	[tilespmem:s3], [sflag:$0x4] =	stream.linear.gather [hbm4b:s12+s3], $0x80, $0x38;
	[tilespmem:$0xC080] =	vst v63  }
0x16: {  	_ =	swait.ge [sflag:s0], $0x80  }
0x17: {  	[sflag:s0] =	ssyncset.done $0x0  }
0x18: {  	[sflag:s0] =	ssyncadd.s32 $0xFFFFFF80  }
0x19: {  	v3 =	vld [tilespmem:$0x0];
	_ =	sdelay $0x4  }
0x1a: {  	v4 =	vshrl.u32 v3, $0x3  }
0x1b: {  	v4 =	vmul.u32 $0x30, v4  }
0x1c: {  	v3 =	vand.u32 $0x7, v3  }
0x1d: {  	v3 =	vor.u32 v3, v4  }
0x1e: {  	v4 =	vperm.xlane v3, v0;
	_ =	sdelay $0x1  }
0x1f: {  	v4 =	vadd.s32 v1, v4;
	_ =	sdelay $0x3  }
0x20: {  	v3 =	vperm.xlane v3, v2  }
0x21: {  	[tilespmem:s22], [sflag:$0x1] =	stream.indirect_vreg.gather [hbm4b:s1+s3], $0x80, v4, vm0, $0xb8;
	[tilespmem:$0xC080] =	vst v63  }
0x22: {  	v3 =	vadd.s32 v1, v3  }
0x23: {  	[tilespmem:s13], [sflag:$0x1] =	stream.indirect_vreg.gather [hbm4b:s5+s3], $0x80, v4, vm0, $0xb8;
	[tilespmem:$0xC080] =	vst v63  }
0x24: {  	_ = 	snop  }
0x25: {  	[tilespmem:s14], [sflag:$0x1] =	stream.indirect_vreg.gather [hbm4b:s6+s3], $0x80, v4, vm0, $0xb8;
	[tilespmem:$0xC080] =	vst v63  }
0x26: {  	_ = 	snop  }
0x27: {  	[tilespmem:s15], [sflag:$0x1] =	stream.indirect_vreg.gather [hbm4b:s1+s3], $0x80, v3, vm0, $0xb8;
	[tilespmem:$0xC080] =	vst v63  }
0x28: {  	_ = 	snop  }
0x29: {  	[tilespmem:s16], [sflag:$0x1] =	stream.indirect_vreg.gather [hbm4b:s5+s3], $0x80, v3, vm0, $0xb8;
	[tilespmem:$0xC080] =	vst v63  }
0x2a: {  	_ = 	snop  }
0x2b: {  	[tilespmem:s17], [sflag:$0x1] =	stream.indirect_vreg.gather [hbm4b:s6+s3], $0x80, v3, vm0, $0xb8;
	[tilespmem:$0xC080] =	vst v63  }
0x2c: {  	v3 =	vld [tilespmem:$0x10];
	_ =	sdelay $0x4  }
0x2d: {  	v57 =	vshrl.u32 v3, $0x3  }
0x2e: {  	v4 =	vmul.u32 $0x30, v57  }
0x2f: {  	v3 =	vand.u32 $0x7, v3  }
0x30: {  	v3 =	vor.u32 v3, v4  }
0x31: {  	v4 =	vperm.xlane v3, v0;
	_ =	sdelay $0x1  }
0x32: {  	v4 =	vadd.s32 v1, v4;
	_ =	sdelay $0x3  }
0x33: {  	v3 =	vperm.xlane v3, v2  }
0x34: {  	[tilespmem:s18], [sflag:$0x1] =	stream.indirect_vreg.gather [hbm4b:s1+s3], $0x80, v4, vm0, $0xb8;
	[tilespmem:$0xC080] =	vst v63  }
0x35: {  	v3 =	vadd.s32 v1, v3  }
0x36: {  	[tilespmem:s19], [sflag:$0x1] =	stream.indirect_vreg.gather [hbm4b:s5+s3], $0x80, v4, vm0, $0xb8;
	[tilespmem:$0xC080] =	vst v63  }
0x37: {  	_ = 	snop  }
0x38: {  	[tilespmem:s20], [sflag:$0x1] =	stream.indirect_vreg.gather [hbm4b:s6+s3], $0x80, v4, vm0, $0xb8;
	[tilespmem:$0xC080] =	vst v63  }
0x39: {  	_ = 	snop  }
0x3a: {  	[tilespmem:s23], [sflag:$0x1] =	stream.indirect_vreg.gather [hbm4b:s1+s3], $0x80, v3, vm0, $0xb8;
	[tilespmem:$0xC080] =	vst v63  }
0x3b: {  	_ = 	snop  }
0x3c: {  	[tilespmem:s24], [sflag:$0x1] =	stream.indirect_vreg.gather [hbm4b:s5+s3], $0x80, v3, vm0, $0xb8;
	[tilespmem:$0xC080] =	vst v63  }
0x3d: {  	s0 =	simm.s32 $0x1  }
0x3e: {  	[tilespmem:s25], [sflag:$0x1] =	stream.indirect_vreg.gather [hbm4b:s6+s3], $0x80, v3, vm0, $0xb8;
	[tilespmem:$0xC080] =	vst v63  }
0x3f: {  	_ =	swait.ge [sflag:s0], $0x6000  }
0x40: {  	[sflag:s0] =	ssyncset.done $0x0  }
0x41: {  	[sflag:s0] =	ssyncadd.s32 $0xFFFFA000  }
0x42: {  	v3 =	vld [tilespmem:$0x20];
	_ =	sdelay $0x4  }
0x43: {  	v58 =	vshrl.u32 v3, $0x3  }
0x44: {  	v4 =	vmul.u32 $0x30, v58  }
0x45: {  	v3 =	vand.u32 $0x7, v3  }
0x46: {  	v3 =	vor.u32 v3, v4  }
0x47: {  	v4 =	vperm.xlane v3, v0;
	_ =	sdelay $0x1  }
0x48: {  	v4 =	vadd.s32 v1, v4;
	_ =	sdelay $0x3  }
0x49: {  	v3 =	vperm.xlane v3, v2  }
0x4a: {  	[tilespmem:s21], [sflag:$0x2] =	stream.indirect_vreg.gather [hbm4b:s1+s3], $0x80, v4, vm0, $0xb8;
	[tilespmem:$0xC080] =	vst v63  }
0x4b: {  	v3 =	vadd.s32 v1, v3  }
0x4c: {  	[tilespmem:s26], [sflag:$0x2] =	stream.indirect_vreg.gather [hbm4b:s5+s3], $0x80, v4, vm0, $0xb8;
	[tilespmem:$0xC080] =	vst v63  }
0x4d: {  	_ = 	snop  }
0x4e: {  	[tilespmem:s28], [sflag:$0x2] =	stream.indirect_vreg.gather [hbm4b:s6+s3], $0x80, v4, vm0, $0xb8;
	[tilespmem:$0xC080] =	vst v63  }
0x4f: {  	_ = 	snop  }
0x50: {  	[tilespmem:s29], [sflag:$0x2] =	stream.indirect_vreg.gather [hbm4b:s1+s3], $0x80, v3, vm0, $0xb8;
	[tilespmem:$0xC080] =	vst v63  }
0x51: {  	_ = 	snop  }
0x52: {  	[tilespmem:s30], [sflag:$0x2] =	stream.indirect_vreg.gather [hbm4b:s5+s3], $0x80, v3, vm0, $0xb8;
	[tilespmem:$0xC080] =	vst v63  }
0x53: {  	_ = 	snop  }
0x54: {  	[tilespmem:s31], [sflag:$0x2] =	stream.indirect_vreg.gather [hbm4b:s6+s3], $0x80, v3, vm0, $0xb8;
	[tilespmem:$0xC080] =	vst v63  }
0x55: {  	v3 =	vld [tilespmem:$0x30];
	_ =	sdelay $0x4  }
0x56: {  	v59 =	vshrl.u32 v3, $0x3  }
0x57: {  	v4 =	vmul.u32 $0x30, v59  }
0x58: {  	v3 =	vand.u32 $0x7, v3  }
0x59: {  	v3 =	vor.u32 v3, v4  }
0x5a: {  	v4 =	vperm.xlane v3, v0;
	_ =	sdelay $0x1  }
0x5b: {  	v4 =	vadd.s32 v1, v4;
	_ =	sdelay $0x3  }
0x5c: {  	v3 =	vperm.xlane v3, v2  }
0x5d: {  	[tilespmem:s2], [sflag:$0x2] =	stream.indirect_vreg.gather [hbm4b:s1+s3], $0x80, v4, vm0, $0xb8;
	[tilespmem:$0xC080] =	vst v63  }
0x5e: {  	s4 =	simm.s32 $0x9880;
	v3 =	vadd.s32 v1, v3  }
0x5f: {  	[tilespmem:s4], [sflag:$0x2] =	stream.indirect_vreg.gather [hbm4b:s5+s3], $0x80, v4, vm0, $0xb8;
	[tilespmem:$0xC080] =	vst v63  }
0x60: {  	s4 =	simm.s32 $0xA080  }
0x61: {  	[tilespmem:s4], [sflag:$0x2] =	stream.indirect_vreg.gather [hbm4b:s6+s3], $0x80, v4, vm0, $0xb8;
	[tilespmem:$0xC080] =	vst v63  }
0x62: {  	_ = 	snop  }
0x63: {  	[tilespmem:s8], [sflag:$0x2] =	stream.indirect_vreg.gather [hbm4b:s1+s3], $0x80, v3, vm0, $0xb8;
	[tilespmem:$0xC080] =	vst v63  }
0x64: {  	_ = 	snop  }
0x65: {  	[tilespmem:s9], [sflag:$0x2] =	stream.indirect_vreg.gather [hbm4b:s5+s3], $0x80, v3, vm0, $0xb8;
	[tilespmem:$0xC080] =	vst v63  }
0x66: {  	s12 =	simm.s32 $0xB880  }
0x67: {  	[tilespmem:s12], [sflag:$0x2] =	stream.indirect_vreg.gather [hbm4b:s6+s3], $0x80, v3, vm0, $0xb8;
	[tilespmem:$0xC080] =	vst v63  }
0x68: {  	s12 =	rddreg [dreg:$0x8]  }
0x69: {  	[hbm4b:s12+s3] =	stream.linear.scatter [tilespmem:s22], [sflag:$0x3], $0x6000, $0x38;
	[tilespmem:$0xC080] =	vst v63  }
0x6a: {  	_ =	swait.ge [sflag:s10], $0x6000  }
0x6b: {  	[sflag:s10] =	ssyncset.done $0x0  }
0x6c: {  	[sflag:s10] =	ssyncadd.s32 $0xFFFFA000  }
0x6d: {  	_ =	swait.ge [sflag:s11], $0x6000  }
0x6e: {  	[sflag:s11] =	ssyncset.done $0x0  }
0x6f: {  	[sflag:s11] =	ssyncadd.s32 $0xFFFFA000  }
0x70: {  	v3 =	vld [tilespmem:$0x40];
	_ =	sdelay $0x4  }
0x71: {  	v60 =	vshrl.u32 v3, $0x3  }
0x72: {  	v4 =	vmul.u32 $0x30, v60  }
0x73: {  	v3 =	vand.u32 $0x7, v3  }
0x74: {  	v3 =	vor.u32 v3, v4  }
0x75: {  	v4 =	vperm.xlane v3, v0;
	_ =	sdelay $0x1  }
0x76: {  	v4 =	vadd.s32 v1, v4;
	_ =	sdelay $0x3  }
0x77: {  	v3 =	vperm.xlane v3, v2  }
0x78: {  	[tilespmem:s22], [sflag:$0x1] =	stream.indirect_vreg.gather [hbm4b:s1+s3], $0x80, v4, vm0, $0xb8;
	[tilespmem:$0xC080] =	vst v63  }
0x79: {  	v3 =	vadd.s32 v1, v3  }
0x7a: {  	[tilespmem:s13], [sflag:$0x1] =	stream.indirect_vreg.gather [hbm4b:s5+s3], $0x80, v4, vm0, $0xb8;
	[tilespmem:$0xC080] =	vst v63  }
0x7b: {  	_ = 	snop  }
0x7c: {  	[tilespmem:s14], [sflag:$0x1] =	stream.indirect_vreg.gather [hbm4b:s6+s3], $0x80, v4, vm0, $0xb8;
	[tilespmem:$0xC080] =	vst v63  }
0x7d: {  	_ = 	snop  }
0x7e: {  	[tilespmem:s15], [sflag:$0x1] =	stream.indirect_vreg.gather [hbm4b:s1+s3], $0x80, v3, vm0, $0xb8;
	[tilespmem:$0xC080] =	vst v63  }
0x7f: {  	_ = 	snop  }
0x80: {  	[tilespmem:s16], [sflag:$0x1] =	stream.indirect_vreg.gather [hbm4b:s5+s3], $0x80, v3, vm0, $0xb8;
	[tilespmem:$0xC080] =	vst v63  }
0x81: {  	_ = 	snop  }
0x82: {  	[tilespmem:s17], [sflag:$0x1] =	stream.indirect_vreg.gather [hbm4b:s6+s3], $0x80, v3, vm0, $0xb8;
	[tilespmem:$0xC080] =	vst v63  }
0x83: {  	v3 =	vld [tilespmem:$0x50];
	_ =	sdelay $0x4  }
0x84: {  	v61 =	vshrl.u32 v3, $0x3  }
0x85: {  	v4 =	vmul.u32 $0x30, v61  }
0x86: {  	v3 =	vand.u32 $0x7, v3  }
0x87: {  	v3 =	vor.u32 v3, v4  }
0x88: {  	v4 =	vperm.xlane v3, v0;
	_ =	sdelay $0x1  }
0x89: {  	v4 =	vadd.s32 v1, v4;
	_ =	sdelay $0x3  }
0x8a: {  	v3 =	vperm.xlane v3, v2  }
0x8b: {  	[tilespmem:s18], [sflag:$0x1] =	stream.indirect_vreg.gather [hbm4b:s1+s3], $0x80, v4, vm0, $0xb8;
	[tilespmem:$0xC080] =	vst v63  }
0x8c: {  	v3 =	vadd.s32 v1, v3  }
0x8d: {  	[tilespmem:s19], [sflag:$0x1] =	stream.indirect_vreg.gather [hbm4b:s5+s3], $0x80, v4, vm0, $0xb8;
	[tilespmem:$0xC080] =	vst v63  }
0x8e: {  	_ = 	snop  }
0x8f: {  	[tilespmem:s20], [sflag:$0x1] =	stream.indirect_vreg.gather [hbm4b:s6+s3], $0x80, v4, vm0, $0xb8;
	[tilespmem:$0xC080] =	vst v63  }
0x90: {  	_ = 	snop  }
0x91: {  	[tilespmem:s23], [sflag:$0x1] =	stream.indirect_vreg.gather [hbm4b:s1+s3], $0x80, v3, vm0, $0xb8;
	[tilespmem:$0xC080] =	vst v63  }
0x92: {  	_ = 	snop  }
0x93: {  	[tilespmem:s24], [sflag:$0x1] =	stream.indirect_vreg.gather [hbm4b:s5+s3], $0x80, v3, vm0, $0xb8;
	[tilespmem:$0xC080] =	vst v63  }
0x94: {  	_ = 	snop  }
0x95: {  	[tilespmem:s25], [sflag:$0x1] =	stream.indirect_vreg.gather [hbm4b:s6+s3], $0x80, v3, vm0, $0xb8;
	[tilespmem:$0xC080] =	vst v63  }
0x96: {  	s12 =	rddreg [dreg:$0x5]  }
0x97: {  	[hbm4b:s12+s3] =	stream.linear.scatter [tilespmem:s21], [sflag:$0x3], $0x6000, $0x38;
	[tilespmem:$0xC080] =	vst v63  }
0x98: {  	_ =	swait.ge [sflag:s0], $0x6000  }
0x99: {  	[sflag:s0] =	ssyncset.done $0x0  }
0x9a: {  	[sflag:s0] =	ssyncadd.s32 $0xFFFFA000  }
0x9b: {  	_ =	swait.ge [sflag:s11], $0x6000  }
0x9c: {  	[sflag:s11] =	ssyncset.done $0x0  }
0x9d: {  	[sflag:s11] =	ssyncadd.s32 $0xFFFFA000  }
0x9e: {  	v3 =	vld [tilespmem:$0x60];
	_ =	sdelay $0x4  }
0x9f: {  	v62 =	vshrl.u32 v3, $0x3  }
0xa0: {  	v4 =	vmul.u32 $0x30, v62  }
0xa1: {  	v3 =	vand.u32 $0x7, v3  }
0xa2: {  	v3 =	vor.u32 v3, v4  }
0xa3: {  	v4 =	vperm.xlane v3, v0;
	_ =	sdelay $0x1  }
0xa4: {  	v4 =	vadd.s32 v1, v4;
	_ =	sdelay $0x3  }
0xa5: {  	v3 =	vperm.xlane v3, v2  }
0xa6: {  	[tilespmem:s21], [sflag:$0x2] =	stream.indirect_vreg.gather [hbm4b:s1+s3], $0x80, v4, vm0, $0xb8;
	[tilespmem:$0xC080] =	vst v63  }
0xa7: {  	v3 =	vadd.s32 v1, v3  }
0xa8: {  	[tilespmem:s26], [sflag:$0x2] =	stream.indirect_vreg.gather [hbm4b:s5+s3], $0x80, v4, vm0, $0xb8;
	[tilespmem:$0xC080] =	vst v63  }
0xa9: {  	_ = 	snop  }
0xaa: {  	[tilespmem:s28], [sflag:$0x2] =	stream.indirect_vreg.gather [hbm4b:s6+s3], $0x80, v4, vm0, $0xb8;
	[tilespmem:$0xC080] =	vst v63  }
0xab: {  	_ = 	snop  }
0xac: {  	[tilespmem:s29], [sflag:$0x2] =	stream.indirect_vreg.gather [hbm4b:s1+s3], $0x80, v3, vm0, $0xb8;
	[tilespmem:$0xC080] =	vst v63  }
0xad: {  	_ = 	snop  }
0xae: {  	[tilespmem:s30], [sflag:$0x2] =	stream.indirect_vreg.gather [hbm4b:s5+s3], $0x80, v3, vm0, $0xb8;
	[tilespmem:$0xC080] =	vst v63  }
0xaf: {  	_ = 	snop  }
0xb0: {  	[tilespmem:s31], [sflag:$0x2] =	stream.indirect_vreg.gather [hbm4b:s6+s3], $0x80, v3, vm0, $0xb8;
	[tilespmem:$0xC080] =	vst v63  }
0xb1: {  	v3 =	vld [tilespmem:$0x70];
	_ =	sdelay $0x4  }
0xb2: {  	v63 =	vshrl.u32 v3, $0x3  }
0xb3: {  	v4 =	vmul.u32 $0x30, v63  }
0xb4: {  	v3 =	vand.u32 $0x7, v3  }
0xb5: {  	v3 =	vor.u32 v3, v4  }
0xb6: {  	v4 =	vperm.xlane v3, v0;
	_ =	sdelay $0x1  }
0xb7: {  	v4 =	vadd.s32 v1, v4;
	_ =	sdelay $0x3  }
0xb8: {  	v3 =	vperm.xlane v3, v2  }
0xb9: {  	[tilespmem:s2], [sflag:$0x2] =	stream.indirect_vreg.gather [hbm4b:s1+s3], $0x80, v4, vm0, $0xb8;
	[tilespmem:$0xC080] =	vst v63  }
0xba: {  	s12 =	simm.s32 $0x9880;
	v3 =	vadd.s32 v1, v3  }
0xbb: {  	[tilespmem:s12], [sflag:$0x2] =	stream.indirect_vreg.gather [hbm4b:s5+s3], $0x80, v4, vm0, $0xb8;
	[tilespmem:$0xC080] =	vst v63  }
0xbc: {  	_ = 	snop  }
0xbd: {  	[tilespmem:s4], [sflag:$0x2] =	stream.indirect_vreg.gather [hbm4b:s6+s3], $0x80, v4, vm0, $0xb8;
	[tilespmem:$0xC080] =	vst v63  }
0xbe: {  	_ = 	snop  }
0xbf: {  	[tilespmem:s8], [sflag:$0x2] =	stream.indirect_vreg.gather [hbm4b:s1+s3], $0x80, v3, vm0, $0xb8;
	[tilespmem:$0xC080] =	vst v63  }
0xc0: {  	_ = 	snop  }
0xc1: {  	[tilespmem:s9], [sflag:$0x2] =	stream.indirect_vreg.gather [hbm4b:s5+s3], $0x80, v3, vm0, $0xb8;
	[tilespmem:$0xC080] =	vst v63  }
0xc2: {  	s4 =	simm.s32 $0xB880  }
0xc3: {  	[tilespmem:s4], [sflag:$0x2] =	stream.indirect_vreg.gather [hbm4b:s6+s3], $0x80, v3, vm0, $0xb8;
	[tilespmem:$0xC080] =	vst v63  }
0xc4: {  	s12 =	rddreg [dreg:$0x6]  }
0xc5: {  	[hbm4b:s12+s3] =	stream.linear.scatter [tilespmem:s22], [sflag:$0x3], $0x6000, $0x38;
	[tilespmem:$0xC080] =	vst v63  }
0xc6: {  	_ =	swait.ge [sflag:s10], $0x6000  }
0xc7: {  	[sflag:s10] =	ssyncset.done $0x0  }
0xc8: {  	s4 =	rddreg [dreg:$0x7];
	[sflag:s10] =	ssyncadd.s32 $0xFFFFA000  }
0xc9: {  	[hbm4b:s4+s3] =	stream.linear.scatter [tilespmem:s21], [sflag:$0x3], $0x6000, $0x38;
	[tilespmem:$0xC080] =	vst v63  }
0xca: {  	p0 =	sne.s32 s7, $0x1;
	_ =	swait.ge [sflag:s11], $0x6000  }
.Ltmp0:
0xcb: {  	[sflag:s11] =	ssyncset.done $0x0;
	(pc) =	sbr.rel @p0 .LBB2_1-.Ltmp0, $4  }
0xcc: {  	[sflag:s11] =	ssyncadd.s32 $0xFFFFA000  }
0xcd: {  	_ =	swait.ge [sflag:s11], $0x6000  }
0xce: {  	[sflag:s11] =	ssyncset.done $0x0  }
0xcf: {  	s7 =	sadd.s32 $0xFFFFFFFF, s7;
	[sflag:s11] =	ssyncadd.s32 $0xFFFFA000  }
0xd0: {  	_ =	sfence.sel $0x180000  }
0xd1: {  	[bflag:$0x0] =	sbarrier.arrive $0xFFFF  }
0xd2: {  	_ =	strace $0x90000047  }
0xd3: {  	s0 =	stileid.u32;
	[bflag:$0x2] =	sbarrier.arrive $0xFFFF  }
0xd4: {  	p0 =	sne.s32 s0, $0x0;
	s0 =	rddreg [dreg:$0x3]  }
0xd5: {  	s0 =	sadd.s32 @!p0 $0x100000, s0  }
0xd6: {  	[sflag:s0] =	ssyncadd.tile.s32 @!p0 $0x1;
	_ =	shalt  }
.Lfunc_end2:
_tile_overlayer_lowered:
.L_overlay_start_2:
0xd7: {  	(tag) =	ssettag $0x2  }
0xd8: {  	s0 =	rddreg [dreg:$0x0];
	s2 =	stileid.u32  }
0xd9: {  	s1 =	rddreg [dreg:$0x1];
	p0 =	sne.s32 s2, $0x0  }
0xda: {  	s3 =	rddreg [dreg:$0x2];
	[bflag:$0x3] =	sbarrier.arrive $0xFFFF;
	s2 =	simm.s32 @!p0 $0x1C04  }
0xdb: {  	[timem:s3], [sflag:s2] =	dma.local @!p0 [hbm:s0], s1  }
0xdc: {  	s0 =	simm.s32 @!p0 $0x4  }
0xdd: {  	_ =	swait.ge @!p0 [sflag:s0], s1  }
0xde: {  	s1 =	ssub.s32 @!p0 $0x0, s1;
	[sflag:s0] =	ssyncset.done @!p0 $0x0  }
0xdf: {  	[sflag:s0] =	ssyncadd.s32 @!p0 s1  }
0xe0: {  	[bflag:$0x3] =	sbarrier.arrive $0xFFFF  }
0xe1: {  	_ =	shalt  }

</sc_bundles>
